<compile_context>
chip_gen: v7x
topology: tpu7x:2x2x1
jax: 0.10.2.dev20260603
libtpu: 0.0.44.dev20260713+nightly
codegen_flags: <defaults>
</compile_context>

<pallas_src>
import functools

import jax
import jax.numpy as jnp
from jax import lax
from jax.experimental import pallas as pl
from jax.experimental.pallas import tpu as pltpu
from jax.experimental.pallas import tpu_sc as plsc

_EMB_D = 128
_CHUNK = 128
_NBUF = 4


def _sc_gather(weight, idx2d):
    n_rows, _ = idx2d.shape
    info = plsc.get_sparse_core_info()
    nw = info.num_cores * info.num_subcores
    nc = n_rows // nw
    mesh = plsc.VectorSubcoreMesh(core_axis_name="c", subcore_axis_name="s")

    @functools.partial(
        pl.kernel,
        mesh=mesh,
        out_type=jax.ShapeDtypeStruct((n_rows * _CHUNK, _EMB_D), jnp.float32),
        scratch_types=(
            [pltpu.VMEM((nc, _CHUNK), jnp.int32)]
            + [pltpu.VMEM((_CHUNK, _EMB_D), jnp.float32)] * _NBUF
            + [pltpu.SemaphoreType.DMA] * (2 * _NBUF)
        ),
    )
    def k(table_hbm, idx_hbm, out_hbm, idx_v, *bufs_and_sems):
        rows = bufs_and_sems[:_NBUF]
        gsem = bufs_and_sems[_NBUF:2 * _NBUF]
        wsem = bufs_and_sems[2 * _NBUF:]
        wid = lax.axis_index("s") * info.num_cores + lax.axis_index("c")
        pltpu.sync_copy(idx_hbm.at[pl.ds(wid * nc, nc)], idx_v)

        def gather(b, g):
            pltpu.make_async_copy(
                table_hbm.at[idx_v.at[g]], rows[b], gsem[b]).start()

        for b in range(_NBUF):
            gather(b, b)

        def outer(k_, carry):
            for b in range(_NBUF):
                g = k_ * _NBUF + b
                pltpu.make_async_copy(
                    table_hbm.at[idx_v.at[g]], rows[b], gsem[b]).wait()
                base = pl.multiple_of((wid * nc + g) * _CHUNK, _CHUNK)
                out_slice = out_hbm.at[pl.ds(base, _CHUNK)]
                cp = pltpu.make_async_copy(rows[b], out_slice, wsem[b])
                cp.start()
                cp.wait()

                @pl.when(g + _NBUF < nc)
                def _():
                    gather(b, g + _NBUF)
            return carry

        lax.fori_loop(0, nc // _NBUF, outer, 0)

    return k(weight, idx2d)


def kernel(x, weight):
    flat = x.reshape(-1).astype(jnp.int32)
    out = _sc_gather(weight, flat.reshape(-1, _CHUNK))
    return out.reshape(x.shape + (_EMB_D,))

# --- scband reference (transcript-rebuilt; emitter-appended) ---
"""Pipeline reference for scband-custom-embedding-79113297592449 (READ-ONLY COPY).

The authoritative reference and input builder live on the scoring server;
editing this copy changes nothing except your own understanding.
"""

import jax, jax.numpy as jnp
import numpy as np

NUM_EMBEDDINGS = 100000
EMBEDDING_DIM = 128

def setup_inputs(seed: int = 0) -> dict:
    key = jax.random.key(seed)
    k_idx, k_w = jax.random.split(key)
    x = jax.random.randint(k_idx, (4096, 200), 0, NUM_EMBEDDINGS, dtype=jnp.int64 if jax.config.jax_enable_x64 else jnp.int32)
    # xavier_uniform init for embedding table (fan_in=num_embeddings, fan_out=embedding_dim)
    limit = float(np.sqrt(6.0 / (NUM_EMBEDDINGS + EMBEDDING_DIM)))
    weight = jax.random.uniform(k_w, (NUM_EMBEDDINGS, EMBEDDING_DIM), minval=-limit, maxval=limit, dtype=jnp.float32)
    return {"x": x, "weight": weight}

def reference(x, weight):
    # nn.Embedding forward: gather rows of the table
    return jnp.take(weight, x, axis=0)

if __name__ == "__main__":
    import jax
    _d = setup_inputs()
    print(jax.jit(kernel)(*tuple(_d.values())))

</pallas_src>

<mosaic_0001>
#map = affine_map<(d0, d1) -> (0, 0)>
module attributes {stable_mosaic.version = 14 : i64} {
  func.func @k(%arg0: i32, %arg1: i32, %arg2: memref<100000x128xf32, #tpu.memory_space<hbm>>, %arg3: memref<6400x128xi32, #tpu.memory_space<hbm>>, %arg4: memref<819200x128xf32, #tpu.memory_space<hbm>>, %arg5: memref<200x128xi32, #tpu.memory_space<vmem>>, %arg6: memref<128x128xf32, #tpu.memory_space<vmem>>, %arg7: memref<128x128xf32, #tpu.memory_space<vmem>>, %arg8: memref<128x128xf32, #tpu.memory_space<vmem>>, %arg9: memref<128x128xf32, #tpu.memory_space<vmem>>, %arg10: memref<!tpu.dma_semaphore, #tpu.memory_space<semaphore_mem>>, %arg11: memref<!tpu.dma_semaphore, #tpu.memory_space<semaphore_mem>>, %arg12: memref<!tpu.dma_semaphore, #tpu.memory_space<semaphore_mem>>, %arg13: memref<!tpu.dma_semaphore, #tpu.memory_space<semaphore_mem>>, %arg14: memref<!tpu.dma_semaphore, #tpu.memory_space<semaphore_mem>>, %arg15: memref<!tpu.dma_semaphore, #tpu.memory_space<semaphore_mem>>, %arg16: memref<!tpu.dma_semaphore, #tpu.memory_space<semaphore_mem>>, %arg17: memref<!tpu.dma_semaphore, #tpu.memory_space<semaphore_mem>>) attributes {dimension_semantics = [#tpu.dimension_semantics<core_parallel>, #tpu.dimension_semantics<subcore_parallel>], iteration_bounds = array<i64: 2, 16>, scalar_prefetch = 0 : i64, scratch_operands = 13 : i64, tpu.core_type = #tpu.core_type<sc_vector_subcore>, window_params = [{transform_indices = #map}, {transform_indices = #map}, {transform_indices = #map}]} {
    %mul3A = arith.constant 2 : i32
    %mul3A_0 = arith.muli %arg1, %mul3A : i32
    %add3A = arith.addi %mul3A_0, %arg0 : i32
    %mul3A_1 = arith.constant 200 : i32
    %mul3A_2 = arith.muli %add3A, %mul3A_1 : i32
    "tpu.region"() ({
      %run_scoped3A = tpu.sem_alloc : memref<!tpu.dma_semaphore, #tpu.memory_space<semaphore_mem>>
      %dma_start3A_35 = arith.constant 0 : i32
      %dma_start3A_36 = tpu.memref_slice %arg3[%mul3A_2, %dma_start3A_35] : memref<6400x128xi32, #tpu.memory_space<hbm>> -> memref<200x128xi32, #tpu.memory_space<hbm>>
      %dma_start3A_37 = arith.constant 0 : i32
      %dma_start3A_38 = tpu.memref_slice %arg3[%mul3A_2, %dma_start3A_37] : memref<6400x128xi32, #tpu.memory_space<hbm>> -> memref<200x128xi32, #tpu.memory_space<hbm>>
      tpu.enqueue_dma source(%dma_start3A_38 : memref<200x128xi32, #tpu.memory_space<hbm>>) target(%arg5 : memref<200x128xi32, #tpu.memory_space<vmem>>) target_semaphore(%run_scoped3A : memref<!tpu.dma_semaphore, #tpu.memory_space<semaphore_mem>>)
      %dma_wait3A = arith.constant 0 : i32
      %dma_wait3A_39 = tpu.memref_slice %arg3[%mul3A_2, %dma_wait3A] : memref<6400x128xi32, #tpu.memory_space<hbm>> -> memref<200x128xi32, #tpu.memory_space<hbm>>
      %dma_wait3A_40 = arith.constant 0 : i32
      %dma_wait3A_41 = tpu.memref_slice %arg3[%mul3A_2, %dma_wait3A_40] : memref<6400x128xi32, #tpu.memory_space<hbm>> -> memref<200x128xi32, #tpu.memory_space<hbm>>
      tpu.wait_dma2 semaphore(%run_scoped3A : memref<!tpu.dma_semaphore, #tpu.memory_space<semaphore_mem>>) src(%dma_wait3A_41 : memref<200x128xi32, #tpu.memory_space<hbm>>) dst(%arg5 : memref<200x128xi32, #tpu.memory_space<vmem>>)
      tpu.yield
    }) : () -> ()
    %dma_start3A = arith.constant 0 : i32
    %dma_start3A_3 = arith.constant 0 : i32
    %dma_start3A_4 = tpu.memref_slice %arg5[%dma_start3A, %dma_start3A_3] : memref<200x128xi32, #tpu.memory_space<vmem>> -> memref<1x128xi32, #tpu.memory_space<vmem>>
    %dma_start3A_5 = tpu.memref_squeeze %dma_start3A_4 : memref<1x128xi32, #tpu.memory_space<vmem>> -> memref<128xi32, #tpu.memory_space<vmem>>
    %dma_start3A_6 = arith.constant 0 : i32
    %dma_start3A_7 = arith.constant 0 : i32
    %dma_start3A_8 = tpu.memref_slice %arg2[%dma_start3A_6, %dma_start3A_7] : memref<100000x128xf32, #tpu.memory_space<hbm>> -> memref<100000x128xf32, #tpu.memory_space<hbm>>
    tpu.enqueue_indirect_dma source(%dma_start3A_8 : memref<100000x128xf32, #tpu.memory_space<hbm>>) target(%arg6 : memref<128x128xf32, #tpu.memory_space<vmem>>) offsets(%dma_start3A_5 : memref<128xi32, #tpu.memory_space<vmem>>) semaphore(%arg10 : memref<!tpu.dma_semaphore, #tpu.memory_space<semaphore_mem>>)
    %dma_start3A_9 = arith.constant 1 : i32
    %dma_start3A_10 = arith.constant 0 : i32
    %dma_start3A_11 = tpu.memref_slice %arg5[%dma_start3A_9, %dma_start3A_10] : memref<200x128xi32, #tpu.memory_space<vmem>> -> memref<1x128xi32, #tpu.memory_space<vmem>>
    %dma_start3A_12 = tpu.memref_squeeze %dma_start3A_11 : memref<1x128xi32, #tpu.memory_space<vmem>> -> memref<128xi32, #tpu.memory_space<vmem>>
    %dma_start3A_13 = arith.constant 0 : i32
    %dma_start3A_14 = arith.constant 0 : i32
    %dma_start3A_15 = tpu.memref_slice %arg2[%dma_start3A_13, %dma_start3A_14] : memref<100000x128xf32, #tpu.memory_space<hbm>> -> memref<100000x128xf32, #tpu.memory_space<hbm>>
    tpu.enqueue_indirect_dma source(%dma_start3A_15 : memref<100000x128xf32, #tpu.memory_space<hbm>>) target(%arg7 : memref<128x128xf32, #tpu.memory_space<vmem>>) offsets(%dma_start3A_12 : memref<128xi32, #tpu.memory_space<vmem>>) semaphore(%arg11 : memref<!tpu.dma_semaphore, #tpu.memory_space<semaphore_mem>>)
    %dma_start3A_16 = arith.constant 2 : i32
    %dma_start3A_17 = arith.constant 0 : i32
    %dma_start3A_18 = tpu.memref_slice %arg5[%dma_start3A_16, %dma_start3A_17] : memref<200x128xi32, #tpu.memory_space<vmem>> -> memref<1x128xi32, #tpu.memory_space<vmem>>
    %dma_start3A_19 = tpu.memref_squeeze %dma_start3A_18 : memref<1x128xi32, #tpu.memory_space<vmem>> -> memref<128xi32, #tpu.memory_space<vmem>>
    %dma_start3A_20 = arith.constant 0 : i32
    %dma_start3A_21 = arith.constant 0 : i32
    %dma_start3A_22 = tpu.memref_slice %arg2[%dma_start3A_20, %dma_start3A_21] : memref<100000x128xf32, #tpu.memory_space<hbm>> -> memref<100000x128xf32, #tpu.memory_space<hbm>>
    tpu.enqueue_indirect_dma source(%dma_start3A_22 : memref<100000x128xf32, #tpu.memory_space<hbm>>) target(%arg8 : memref<128x128xf32, #tpu.memory_space<vmem>>) offsets(%dma_start3A_19 : memref<128xi32, #tpu.memory_space<vmem>>) semaphore(%arg12 : memref<!tpu.dma_semaphore, #tpu.memory_space<semaphore_mem>>)
    %dma_start3A_23 = arith.constant 3 : i32
    %dma_start3A_24 = arith.constant 0 : i32
    %dma_start3A_25 = tpu.memref_slice %arg5[%dma_start3A_23, %dma_start3A_24] : memref<200x128xi32, #tpu.memory_space<vmem>> -> memref<1x128xi32, #tpu.memory_space<vmem>>
    %dma_start3A_26 = tpu.memref_squeeze %dma_start3A_25 : memref<1x128xi32, #tpu.memory_space<vmem>> -> memref<128xi32, #tpu.memory_space<vmem>>
    %dma_start3A_27 = arith.constant 0 : i32
    %dma_start3A_28 = arith.constant 0 : i32
    %dma_start3A_29 = tpu.memref_slice %arg2[%dma_start3A_27, %dma_start3A_28] : memref<100000x128xf32, #tpu.memory_space<hbm>> -> memref<100000x128xf32, #tpu.memory_space<hbm>>
    tpu.enqueue_indirect_dma source(%dma_start3A_29 : memref<100000x128xf32, #tpu.memory_space<hbm>>) target(%arg9 : memref<128x128xf32, #tpu.memory_space<vmem>>) offsets(%dma_start3A_26 : memref<128xi32, #tpu.memory_space<vmem>>) semaphore(%arg13 : memref<!tpu.dma_semaphore, #tpu.memory_space<semaphore_mem>>)
    %scan3A = arith.constant 0 : i32
    %scan3A_30 = arith.constant 0 : i32
    %scan3A_31 = arith.constant 50 : i32
    %scan3A_32 = arith.addi %scan3A_30, %scan3A_31 : i32
    %scan3A_33 = arith.constant 1 : i32
    scf.for %scan3A_35 = %scan3A_30 to %scan3A_32 step %scan3A_33  : i32 {
      %mul3A_36 = arith.constant 4 : i32
      %mul3A_37 = arith.muli %scan3A_35, %mul3A_36 : i32
      %add3A_38 = arith.constant 0 : i32
      %add3A_39 = arith.addi %mul3A_37, %add3A_38 : i32
      %dma_wait3A = arith.constant 0 : i32
      %dma_wait3A_40 = tpu.memref_slice %arg5[%add3A_39, %dma_wait3A] : memref<200x128xi32, #tpu.memory_space<vmem>> -> memref<1x128xi32, #tpu.memory_space<vmem>>
      %dma_wait3A_41 = tpu.memref_squeeze %dma_wait3A_40 : memref<1x128xi32, #tpu.memory_space<vmem>> -> memref<128xi32, #tpu.memory_space<vmem>>
      %dma_wait3A_42 = arith.constant 0 : i32
      %dma_wait3A_43 = arith.constant 0 : i32
      %dma_wait3A_44 = tpu.memref_slice %arg2[%dma_wait3A_42, %dma_wait3A_43] : memref<100000x128xf32, #tpu.memory_space<hbm>> -> memref<100000x128xf32, #tpu.memory_space<hbm>>
      tpu.wait_indirect_dma semaphore(%arg10 : memref<!tpu.dma_semaphore, #tpu.memory_space<semaphore_mem>>) src(%dma_wait3A_44 : memref<100000x128xf32, #tpu.memory_space<hbm>>) dst(%arg6 : memref<128x128xf32, #tpu.memory_space<vmem>>)
      %mul3A_45 = arith.constant 200 : i32
      %mul3A_46 = arith.muli %add3A, %mul3A_45 : i32
      %add3A_47 = arith.addi %mul3A_46, %add3A_39 : i32
      %mul3A_48 = arith.constant 128 : i32
      %mul3A_49 = arith.muli %add3A_47, %mul3A_48 : i32
      %multiple_of3A = tpu.assume_multiple %mul3A_49, 128 : i32
      %dma_start3A_50 = arith.constant 0 : i32
      %dma_start3A_51 = tpu.memref_slice %arg4[%multiple_of3A, %dma_start3A_50] : memref<819200x128xf32, #tpu.memory_space<hbm>> -> memref<128x128xf32, #tpu.memory_space<hbm>>
      %dma_start3A_52 = arith.constant 0 : i32
      %dma_start3A_53 = tpu.memref_slice %arg4[%multiple_of3A, %dma_start3A_52] : memref<819200x128xf32, #tpu.memory_space<hbm>> -> memref<128x128xf32, #tpu.memory_space<hbm>>
      tpu.enqueue_dma source(%arg6 : memref<128x128xf32, #tpu.memory_space<vmem>>) target(%dma_start3A_53 : memref<128x128xf32, #tpu.memory_space<hbm>>) target_semaphore(%arg14 : memref<!tpu.dma_semaphore, #tpu.memory_space<semaphore_mem>>)
      %dma_wait3A_54 = arith.constant 0 : i32
      %dma_wait3A_55 = tpu.memref_slice %arg4[%multiple_of3A, %dma_wait3A_54] : memref<819200x128xf32, #tpu.memory_space<hbm>> -> memref<128x128xf32, #tpu.memory_space<hbm>>
      %dma_wait3A_56 = arith.constant 0 : i32
      %dma_wait3A_57 = tpu.memref_slice %arg4[%multiple_of3A, %dma_wait3A_56] : memref<819200x128xf32, #tpu.memory_space<hbm>> -> memref<128x128xf32, #tpu.memory_space<hbm>>
      tpu.wait_dma2 semaphore(%arg14 : memref<!tpu.dma_semaphore, #tpu.memory_space<semaphore_mem>>) src(%arg6 : memref<128x128xf32, #tpu.memory_space<vmem>>) dst(%dma_wait3A_57 : memref<128x128xf32, #tpu.memory_space<hbm>>)
      %add3A_58 = arith.constant 4 : i32
      %add3A_59 = arith.addi %add3A_39, %add3A_58 : i32
      %lt3A = arith.constant 200 : i32
      %lt3A_60 = arith.cmpi slt, %add3A_59, %lt3A : i32
      %convert_element_type3A = arith.extui %lt3A_60 : i1 to i32
      %cond3A = arith.constant 0 : i32
      %cond3A_61 = arith.cmpi ne, %convert_element_type3A, %cond3A : i32
      scf.if %cond3A_61 {
        %add3A_155 = arith.constant 4 : i32
        %add3A_156 = arith.addi %add3A_39, %add3A_155 : i32
        %dma_start3A_157 = arith.constant 0 : i32
        %dma_start3A_158 = tpu.memref_slice %arg5[%add3A_156, %dma_start3A_157] : memref<200x128xi32, #tpu.memory_space<vmem>> -> memref<1x128xi32, #tpu.memory_space<vmem>>
        %dma_start3A_159 = tpu.memref_squeeze %dma_start3A_158 : memref<1x128xi32, #tpu.memory_space<vmem>> -> memref<128xi32, #tpu.memory_space<vmem>>
        %dma_start3A_160 = arith.constant 0 : i32
        %dma_start3A_161 = arith.constant 0 : i32
        %dma_start3A_162 = tpu.memref_slice %arg2[%dma_start3A_160, %dma_start3A_161] : memref<100000x128xf32, #tpu.memory_space<hbm>> -> memref<100000x128xf32, #tpu.memory_space<hbm>>
        tpu.enqueue_indirect_dma source(%dma_start3A_162 : memref<100000x128xf32, #tpu.memory_space<hbm>>) target(%arg6 : memref<128x128xf32, #tpu.memory_space<vmem>>) offsets(%dma_start3A_159 : memref<128xi32, #tpu.memory_space<vmem>>) semaphore(%arg10 : memref<!tpu.dma_semaphore, #tpu.memory_space<semaphore_mem>>)
      } else {
      }
      %mul3A_62 = arith.constant 4 : i32
      %mul3A_63 = arith.muli %scan3A_35, %mul3A_62 : i32
      %add3A_64 = arith.constant 1 : i32
      %add3A_65 = arith.addi %mul3A_63, %add3A_64 : i32
      %dma_wait3A_66 = arith.constant 0 : i32
      %dma_wait3A_67 = tpu.memref_slice %arg5[%add3A_65, %dma_wait3A_66] : memref<200x128xi32, #tpu.memory_space<vmem>> -> memref<1x128xi32, #tpu.memory_space<vmem>>
      %dma_wait3A_68 = tpu.memref_squeeze %dma_wait3A_67 : memref<1x128xi32, #tpu.memory_space<vmem>> -> memref<128xi32, #tpu.memory_space<vmem>>
      %dma_wait3A_69 = arith.constant 0 : i32
      %dma_wait3A_70 = arith.constant 0 : i32
      %dma_wait3A_71 = tpu.memref_slice %arg2[%dma_wait3A_69, %dma_wait3A_70] : memref<100000x128xf32, #tpu.memory_space<hbm>> -> memref<100000x128xf32, #tpu.memory_space<hbm>>
      tpu.wait_indirect_dma semaphore(%arg11 : memref<!tpu.dma_semaphore, #tpu.memory_space<semaphore_mem>>) src(%dma_wait3A_71 : memref<100000x128xf32, #tpu.memory_space<hbm>>) dst(%arg7 : memref<128x128xf32, #tpu.memory_space<vmem>>)
      %mul3A_72 = arith.constant 200 : i32
      %mul3A_73 = arith.muli %add3A, %mul3A_72 : i32
      %add3A_74 = arith.addi %mul3A_73, %add3A_65 : i32
      %mul3A_75 = arith.constant 128 : i32
      %mul3A_76 = arith.muli %add3A_74, %mul3A_75 : i32
      %multiple_of3A_77 = tpu.assume_multiple %mul3A_76, 128 : i32
      %dma_start3A_78 = arith.constant 0 : i32
      %dma_start3A_79 = tpu.memref_slice %arg4[%multiple_of3A_77, %dma_start3A_78] : memref<819200x128xf32, #tpu.memory_space<hbm>> -> memref<128x128xf32, #tpu.memory_space<hbm>>
      %dma_start3A_80 = arith.constant 0 : i32
      %dma_start3A_81 = tpu.memref_slice %arg4[%multiple_of3A_77, %dma_start3A_80] : memref<819200x128xf32, #tpu.memory_space<hbm>> -> memref<128x128xf32, #tpu.memory_space<hbm>>
      tpu.enqueue_dma source(%arg7 : memref<128x128xf32, #tpu.memory_space<vmem>>) target(%dma_start3A_81 : memref<128x128xf32, #tpu.memory_space<hbm>>) target_semaphore(%arg15 : memref<!tpu.dma_semaphore, #tpu.memory_space<semaphore_mem>>)
      %dma_wait3A_82 = arith.constant 0 : i32
      %dma_wait3A_83 = tpu.memref_slice %arg4[%multiple_of3A_77, %dma_wait3A_82] : memref<819200x128xf32, #tpu.memory_space<hbm>> -> memref<128x128xf32, #tpu.memory_space<hbm>>
      %dma_wait3A_84 = arith.constant 0 : i32
      %dma_wait3A_85 = tpu.memref_slice %arg4[%multiple_of3A_77, %dma_wait3A_84] : memref<819200x128xf32, #tpu.memory_space<hbm>> -> memref<128x128xf32, #tpu.memory_space<hbm>>
      tpu.wait_dma2 semaphore(%arg15 : memref<!tpu.dma_semaphore, #tpu.memory_space<semaphore_mem>>) src(%arg7 : memref<128x128xf32, #tpu.memory_space<vmem>>) dst(%dma_wait3A_85 : memref<128x128xf32, #tpu.memory_space<hbm>>)
      %add3A_86 = arith.constant 4 : i32
      %add3A_87 = arith.addi %add3A_65, %add3A_86 : i32
      %lt3A_88 = arith.constant 200 : i32
      %lt3A_89 = arith.cmpi slt, %add3A_87, %lt3A_88 : i32
      %convert_element_type3A_90 = arith.extui %lt3A_89 : i1 to i32
      %cond3A_91 = arith.constant 0 : i32
      %cond3A_92 = arith.cmpi ne, %convert_element_type3A_90, %cond3A_91 : i32
      scf.if %cond3A_92 {
        %add3A_155 = arith.constant 4 : i32
        %add3A_156 = arith.addi %add3A_65, %add3A_155 : i32
        %dma_start3A_157 = arith.constant 0 : i32
        %dma_start3A_158 = tpu.memref_slice %arg5[%add3A_156, %dma_start3A_157] : memref<200x128xi32, #tpu.memory_space<vmem>> -> memref<1x128xi32, #tpu.memory_space<vmem>>
        %dma_start3A_159 = tpu.memref_squeeze %dma_start3A_158 : memref<1x128xi32, #tpu.memory_space<vmem>> -> memref<128xi32, #tpu.memory_space<vmem>>
        %dma_start3A_160 = arith.constant 0 : i32
        %dma_start3A_161 = arith.constant 0 : i32
        %dma_start3A_162 = tpu.memref_slice %arg2[%dma_start3A_160, %dma_start3A_161] : memref<100000x128xf32, #tpu.memory_space<hbm>> -> memref<100000x128xf32, #tpu.memory_space<hbm>>
        tpu.enqueue_indirect_dma source(%dma_start3A_162 : memref<100000x128xf32, #tpu.memory_space<hbm>>) target(%arg7 : memref<128x128xf32, #tpu.memory_space<vmem>>) offsets(%dma_start3A_159 : memref<128xi32, #tpu.memory_space<vmem>>) semaphore(%arg11 : memref<!tpu.dma_semaphore, #tpu.memory_space<semaphore_mem>>)
      } else {
      }
      %mul3A_93 = arith.constant 4 : i32
      %mul3A_94 = arith.muli %scan3A_35, %mul3A_93 : i32
      %add3A_95 = arith.constant 2 : i32
      %add3A_96 = arith.addi %mul3A_94, %add3A_95 : i32
      %dma_wait3A_97 = arith.constant 0 : i32
      %dma_wait3A_98 = tpu.memref_slice %arg5[%add3A_96, %dma_wait3A_97] : memref<200x128xi32, #tpu.memory_space<vmem>> -> memref<1x128xi32, #tpu.memory_space<vmem>>
      %dma_wait3A_99 = tpu.memref_squeeze %dma_wait3A_98 : memref<1x128xi32, #tpu.memory_space<vmem>> -> memref<128xi32, #tpu.memory_space<vmem>>
      %dma_wait3A_100 = arith.constant 0 : i32
      %dma_wait3A_101 = arith.constant 0 : i32
      %dma_wait3A_102 = tpu.memref_slice %arg2[%dma_wait3A_100, %dma_wait3A_101] : memref<100000x128xf32, #tpu.memory_space<hbm>> -> memref<100000x128xf32, #tpu.memory_space<hbm>>
      tpu.wait_indirect_dma semaphore(%arg12 : memref<!tpu.dma_semaphore, #tpu.memory_space<semaphore_mem>>) src(%dma_wait3A_102 : memref<100000x128xf32, #tpu.memory_space<hbm>>) dst(%arg8 : memref<128x128xf32, #tpu.memory_space<vmem>>)
      %mul3A_103 = arith.constant 200 : i32
      %mul3A_104 = arith.muli %add3A, %mul3A_103 : i32
      %add3A_105 = arith.addi %mul3A_104, %add3A_96 : i32
      %mul3A_106 = arith.constant 128 : i32
      %mul3A_107 = arith.muli %add3A_105, %mul3A_106 : i32
      %multiple_of3A_108 = tpu.assume_multiple %mul3A_107, 128 : i32
      %dma_start3A_109 = arith.constant 0 : i32
      %dma_start3A_110 = tpu.memref_slice %arg4[%multiple_of3A_108, %dma_start3A_109] : memref<819200x128xf32, #tpu.memory_space<hbm>> -> memref<128x128xf32, #tpu.memory_space<hbm>>
      %dma_start3A_111 = arith.constant 0 : i32
      %dma_start3A_112 = tpu.memref_slice %arg4[%multiple_of3A_108, %dma_start3A_111] : memref<819200x128xf32, #tpu.memory_space<hbm>> -> memref<128x128xf32, #tpu.memory_space<hbm>>
      tpu.enqueue_dma source(%arg8 : memref<128x128xf32, #tpu.memory_space<vmem>>) target(%dma_start3A_112 : memref<128x128xf32, #tpu.memory_space<hbm>>) target_semaphore(%arg16 : memref<!tpu.dma_semaphore, #tpu.memory_space<semaphore_mem>>)
      %dma_wait3A_113 = arith.constant 0 : i32
      %dma_wait3A_114 = tpu.memref_slice %arg4[%multiple_of3A_108, %dma_wait3A_113] : memref<819200x128xf32, #tpu.memory_space<hbm>> -> memref<128x128xf32, #tpu.memory_space<hbm>>
      %dma_wait3A_115 = arith.constant 0 : i32
      %dma_wait3A_116 = tpu.memref_slice %arg4[%multiple_of3A_108, %dma_wait3A_115] : memref<819200x128xf32, #tpu.memory_space<hbm>> -> memref<128x128xf32, #tpu.memory_space<hbm>>
      tpu.wait_dma2 semaphore(%arg16 : memref<!tpu.dma_semaphore, #tpu.memory_space<semaphore_mem>>) src(%arg8 : memref<128x128xf32, #tpu.memory_space<vmem>>) dst(%dma_wait3A_116 : memref<128x128xf32, #tpu.memory_space<hbm>>)
      %add3A_117 = arith.constant 4 : i32
      %add3A_118 = arith.addi %add3A_96, %add3A_117 : i32
      %lt3A_119 = arith.constant 200 : i32
      %lt3A_120 = arith.cmpi slt, %add3A_118, %lt3A_119 : i32
      %convert_element_type3A_121 = arith.extui %lt3A_120 : i1 to i32
      %cond3A_122 = arith.constant 0 : i32
      %cond3A_123 = arith.cmpi ne, %convert_element_type3A_121, %cond3A_122 : i32
      scf.if %cond3A_123 {
        %add3A_155 = arith.constant 4 : i32
        %add3A_156 = arith.addi %add3A_96, %add3A_155 : i32
        %dma_start3A_157 = arith.constant 0 : i32
        %dma_start3A_158 = tpu.memref_slice %arg5[%add3A_156, %dma_start3A_157] : memref<200x128xi32, #tpu.memory_space<vmem>> -> memref<1x128xi32, #tpu.memory_space<vmem>>
        %dma_start3A_159 = tpu.memref_squeeze %dma_start3A_158 : memref<1x128xi32, #tpu.memory_space<vmem>> -> memref<128xi32, #tpu.memory_space<vmem>>
        %dma_start3A_160 = arith.constant 0 : i32
        %dma_start3A_161 = arith.constant 0 : i32
        %dma_start3A_162 = tpu.memref_slice %arg2[%dma_start3A_160, %dma_start3A_161] : memref<100000x128xf32, #tpu.memory_space<hbm>> -> memref<100000x128xf32, #tpu.memory_space<hbm>>
        tpu.enqueue_indirect_dma source(%dma_start3A_162 : memref<100000x128xf32, #tpu.memory_space<hbm>>) target(%arg8 : memref<128x128xf32, #tpu.memory_space<vmem>>) offsets(%dma_start3A_159 : memref<128xi32, #tpu.memory_space<vmem>>) semaphore(%arg12 : memref<!tpu.dma_semaphore, #tpu.memory_space<semaphore_mem>>)
      } else {
      }
      %mul3A_124 = arith.constant 4 : i32
      %mul3A_125 = arith.muli %scan3A_35, %mul3A_124 : i32
      %add3A_126 = arith.constant 3 : i32
      %add3A_127 = arith.addi %mul3A_125, %add3A_126 : i32
      %dma_wait3A_128 = arith.constant 0 : i32
      %dma_wait3A_129 = tpu.memref_slice %arg5[%add3A_127, %dma_wait3A_128] : memref<200x128xi32, #tpu.memory_space<vmem>> -> memref<1x128xi32, #tpu.memory_space<vmem>>
      %dma_wait3A_130 = tpu.memref_squeeze %dma_wait3A_129 : memref<1x128xi32, #tpu.memory_space<vmem>> -> memref<128xi32, #tpu.memory_space<vmem>>
      %dma_wait3A_131 = arith.constant 0 : i32
      %dma_wait3A_132 = arith.constant 0 : i32
      %dma_wait3A_133 = tpu.memref_slice %arg2[%dma_wait3A_131, %dma_wait3A_132] : memref<100000x128xf32, #tpu.memory_space<hbm>> -> memref<100000x128xf32, #tpu.memory_space<hbm>>
      tpu.wait_indirect_dma semaphore(%arg13 : memref<!tpu.dma_semaphore, #tpu.memory_space<semaphore_mem>>) src(%dma_wait3A_133 : memref<100000x128xf32, #tpu.memory_space<hbm>>) dst(%arg9 : memref<128x128xf32, #tpu.memory_space<vmem>>)
      %mul3A_134 = arith.constant 200 : i32
      %mul3A_135 = arith.muli %add3A, %mul3A_134 : i32
      %add3A_136 = arith.addi %mul3A_135, %add3A_127 : i32
      %mul3A_137 = arith.constant 128 : i32
      %mul3A_138 = arith.muli %add3A_136, %mul3A_137 : i32
      %multiple_of3A_139 = tpu.assume_multiple %mul3A_138, 128 : i32
      %dma_start3A_140 = arith.constant 0 : i32
      %dma_start3A_141 = tpu.memref_slice %arg4[%multiple_of3A_139, %dma_start3A_140] : memref<819200x128xf32, #tpu.memory_space<hbm>> -> memref<128x128xf32, #tpu.memory_space<hbm>>
      %dma_start3A_142 = arith.constant 0 : i32
      %dma_start3A_143 = tpu.memref_slice %arg4[%multiple_of3A_139, %dma_start3A_142] : memref<819200x128xf32, #tpu.memory_space<hbm>> -> memref<128x128xf32, #tpu.memory_space<hbm>>
      tpu.enqueue_dma source(%arg9 : memref<128x128xf32, #tpu.memory_space<vmem>>) target(%dma_start3A_143 : memref<128x128xf32, #tpu.memory_space<hbm>>) target_semaphore(%arg17 : memref<!tpu.dma_semaphore, #tpu.memory_space<semaphore_mem>>)
      %dma_wait3A_144 = arith.constant 0 : i32
      %dma_wait3A_145 = tpu.memref_slice %arg4[%multiple_of3A_139, %dma_wait3A_144] : memref<819200x128xf32, #tpu.memory_space<hbm>> -> memref<128x128xf32, #tpu.memory_space<hbm>>
      %dma_wait3A_146 = arith.constant 0 : i32
      %dma_wait3A_147 = tpu.memref_slice %arg4[%multiple_of3A_139, %dma_wait3A_146] : memref<819200x128xf32, #tpu.memory_space<hbm>> -> memref<128x128xf32, #tpu.memory_space<hbm>>
      tpu.wait_dma2 semaphore(%arg17 : memref<!tpu.dma_semaphore, #tpu.memory_space<semaphore_mem>>) src(%arg9 : memref<128x128xf32, #tpu.memory_space<vmem>>) dst(%dma_wait3A_147 : memref<128x128xf32, #tpu.memory_space<hbm>>)
      %add3A_148 = arith.constant 4 : i32
      %add3A_149 = arith.addi %add3A_127, %add3A_148 : i32
      %lt3A_150 = arith.constant 200 : i32
      %lt3A_151 = arith.cmpi slt, %add3A_149, %lt3A_150 : i32
      %convert_element_type3A_152 = arith.extui %lt3A_151 : i1 to i32
      %cond3A_153 = arith.constant 0 : i32
      %cond3A_154 = arith.cmpi ne, %convert_element_type3A_152, %cond3A_153 : i32
      scf.if %cond3A_154 {
        %add3A_155 = arith.constant 4 : i32
        %add3A_156 = arith.addi %add3A_127, %add3A_155 : i32
        %dma_start3A_157 = arith.constant 0 : i32
        %dma_start3A_158 = tpu.memref_slice %arg5[%add3A_156, %dma_start3A_157] : memref<200x128xi32, #tpu.memory_space<vmem>> -> memref<1x128xi32, #tpu.memory_space<vmem>>
        %dma_start3A_159 = tpu.memref_squeeze %dma_start3A_158 : memref<1x128xi32, #tpu.memory_space<vmem>> -> memref<128xi32, #tpu.memory_space<vmem>>
        %dma_start3A_160 = arith.constant 0 : i32
        %dma_start3A_161 = arith.constant 0 : i32
        %dma_start3A_162 = tpu.memref_slice %arg2[%dma_start3A_160, %dma_start3A_161] : memref<100000x128xf32, #tpu.memory_space<hbm>> -> memref<100000x128xf32, #tpu.memory_space<hbm>>
        tpu.enqueue_indirect_dma source(%dma_start3A_162 : memref<100000x128xf32, #tpu.memory_space<hbm>>) target(%arg9 : memref<128x128xf32, #tpu.memory_space<vmem>>) offsets(%dma_start3A_159 : memref<128xi32, #tpu.memory_space<vmem>>) semaphore(%arg13 : memref<!tpu.dma_semaphore, #tpu.memory_space<semaphore_mem>>)
      } else {
      }
    }
    %scan3A_34 = arith.constant 50 : i32
    return
  }
}

</mosaic_0001>

<sc_bundles>
// kernel: kernel.3.cloned.1.call-start
scs
__scs_entry_jumppad:
0x0: {  	(pc) =	sbr.rel $0x88, $3  }
0x1: {  	(tag) =	ssettag $0x0;
	lr =	simm.s32 $0x1  }
0x2: {  	[smem:$0x3F9F] =	sst lr;
	_ =	strace $0xD0000000  }
0x3: {  	_ = 	snop  }
0x4: {  	_ = 	snop  }
0x5: {  	_ = 	snop  }
0x6: {  	_ = 	snop  }
0x7: {  	_ = 	snop  }
__scs_overlays_trampoline_lowered:
0x8: {  	[smem:$0x3FAE] =	sst s0  }
0x9: {  	[smem:$0x3FAF] =	sst s1  }
0xa: {  	[smem:$0x3FB0] =	sst s2  }
0xb: {  	[smem:$0x3FB1] =	sst s3  }
0xc: {  	[smem:$0x3FB2] =	sst s4  }
0xd: {  	[smem:$0x3FB3] =	sst s5  }
0xe: {  	[smem:$0x3FB4] =	sst s6  }
0xf: {  	[smem:$0x3FB5] =	sst s7  }
0x10: {  	[smem:$0x3FB6] =	sst s8  }
0x11: {  	[smem:$0x3FB7] =	sst s9;
	s0 =	simm.s32 @!p0 $0x0  }
0x12: {  	s1 =	sld [smem:$0x3F9D];
	s0 =	simm.s32 @p0 $0x1  }
0x13: {  	[smem:$0x3FB8] =	sst s0;
	s0 =	simm.s32 @!p1 $0x0  }
0x14: {  	s2 =	sld [smem:$0x3F9C];
	s0 =	simm.s32 @p1 $0x1  }
0x15: {  	[smem:$0x3FB9] =	sst s0;
	s0 =	simm.s32 @!p2 $0x0  }
0x16: {  	s3 =	sld [smem:$0x3FDB];
	s0 =	simm.s32 @p2 $0x1  }
0x17: {  	s4 =	simm.s32 $0x1BF5;
	[smem:$0x3FBB] =	sst s0  }
0x18: {  	s0 =	sld [smem:$0x3F9E];
	_ =	swait.ge [sflag:s4], $0x0  }
0x19: {  	s7 =	sld [smem:$0x3F9F]  }
0x1a: {  	s8 =	sadd.s32 $0xFFFFE003, lr  }
0x1b: {  	s9 =	sadd.s32 $0xFFFFFEF7, lr;
	s5 =	simm.s32 $0xFFFFFFFF;
	p2 =	slt.u32 s8, $0xFFFFF086  }
0x1c: {  	p1 =	slt.u32 s9, $0xF7A;
	s5 =	simm.s32 @!p2 $0x0  }
0x1d: {  	s5 =	simm.s32 @p1 $0x1;
	p0 =	seq.s32 s7, s2  }
0x1e: {  	s7 =	smul.u32 @!p0 $0xF7A, s2;
	p2 =	seq.s32 @!p0 s5, $0x0  }
0x1f: {  	s9 =	smul.u32 $0xF7A, s1;
	s8 =	simm.s32 @!p0 $0x1BF5;
	p2 =	por !p2, p0  }
0x20: {  	[sflag:s8] =	ssyncset.s32 @!p0 $0xFFFFF086;
	s6 =	sadd.s32 @!p0 s3, s7;
	s7 =	simm.s32 @!p0 $0x108  }
0x21: {  	s3 =	sadd.s32 s3, s9;
	s6 =	sadd.s32 @!p0 $0x88, s6;
	s7 =	simm.s32 @p2 $0x1082  }
0x22: {  	[simem:s7], [sflag:s8] =	dma.local @!p0 [hbm:s6], $0xF7A  }
0x23: {  	s9 =	sor.u32 $0xD0000000, s2;
	s6 =	simm.s32 $0x108;
	_ =	swait.ge @!p0 [sflag:s8], $0x0  }
0x24: {  	s3 =	sadd.s32 $0x88, s3;
	s6 =	simm.s32 @!p1 $0x1082;
	[sflag:s4] =	ssyncset.s32 $0xFFFFF086  }
0x25: {  	[simem:s6], [sflag:s4] =	dma.local [hbm:s3], $0xF7A  }
0x26: {  	[smem:$0x3F9F] =	sst s1;
	(tag) =	ssettag s2;
	_ =	strace s9  }
0x27: {  	s1 =	sld [smem:$0x3FAF]  }
0x28: {  	s2 =	sld [smem:$0x3FB0]  }
0x29: {  	s4 =	sld [smem:$0x3FB2]  }
0x2a: {  	p0 =	seq.s32 s5, $0x0;
	s5 =	sld [smem:$0x3FB3]  }
0x2b: {  	s6 =	sld [smem:$0x3FB4]  }
0x2c: {  	s7 =	sld [smem:$0x3FB5]  }
0x2d: {  	s3 =	simm.s32 $0x108;
	s8 =	sld [smem:$0x3FB6]  }
0x2e: {  	s3 =	simm.s32 @!p0 $0x1082;
	s9 =	sld [smem:$0x3FB7]  }
0x2f: {  	lr =	sadd.s32 s0, s3;
	s0 =	sld [smem:$0x3FAE]  }
0x30: {  	s3 =	sld [smem:$0x3FB1]  }
0x31: {  	[smem:$0x3FBA] =	sst s10  }
0x32: {  	s10 =	sld [smem:$0x3FB8];
	_ =	sdelay $0x3  }
0x33: {  	p0 =	seq.s32 s10, $0x1;
	s10 =	sld [smem:$0x3FBA];
	_ =	sdelay $0x3  }
0x34: {  	[smem:$0x3FBA] =	sst s10  }
0x35: {  	s10 =	sld [smem:$0x3FB9];
	_ =	sdelay $0x3  }
0x36: {  	p1 =	seq.s32 s10, $0x1;
	s10 =	sld [smem:$0x3FBA];
	_ =	sdelay $0x3  }
0x37: {  	[smem:$0x3FBA] =	sst s10  }
0x38: {  	s10 =	sld [smem:$0x3FBB]  }
0x39: {  	_ = 	snop;
	(pc) =	sbr.ind lr, $3  }
0x3a: {  	_ = 	snop  }
0x3b: {  	_ = 	snop  }
0x3c: {  	p2 =	seq.s32 s10, $0x1;
	s10 =	sld [smem:$0x3FBA]  }
0x3d: {  	_ =	shalt  }
0x3e: {  	_ =	shalt  }
0x3f: {  	_ =	shalt  }
0x40: {  	_ =	shalt  }
0x41: {  	_ =	shalt  }
0x42: {  	_ =	shalt  }
0x43: {  	_ =	shalt  }
0x44: {  	_ =	shalt  }
0x45: {  	_ =	shalt  }
0x46: {  	_ =	shalt  }
0x47: {  	_ =	shalt  }
0x48: {  	_ =	shalt  }
0x49: {  	_ =	shalt  }
0x4a: {  	_ =	shalt  }
0x4b: {  	_ =	shalt  }
0x4c: {  	_ =	shalt  }
0x4d: {  	_ =	shalt  }
0x4e: {  	_ =	shalt  }
0x4f: {  	_ =	shalt  }
0x50: {  	_ =	shalt  }
0x51: {  	_ =	shalt  }
0x52: {  	_ =	shalt  }
0x53: {  	_ =	shalt  }
0x54: {  	_ =	shalt  }
0x55: {  	_ =	shalt  }
0x56: {  	_ =	shalt  }
0x57: {  	_ =	shalt  }
0x58: {  	_ =	shalt  }
0x59: {  	_ =	shalt  }
0x5a: {  	_ =	shalt  }
0x5b: {  	_ =	shalt  }
0x5c: {  	_ =	shalt  }
0x5d: {  	_ =	shalt  }
0x5e: {  	_ =	shalt  }
0x5f: {  	_ =	shalt  }
0x60: {  	_ =	shalt  }
0x61: {  	_ =	shalt  }
0x62: {  	_ =	shalt  }
0x63: {  	_ =	shalt  }
0x64: {  	_ =	shalt  }
0x65: {  	_ =	shalt  }
0x66: {  	_ =	shalt  }
0x67: {  	_ =	shalt  }
0x68: {  	_ =	shalt  }
0x69: {  	_ =	shalt  }
0x6a: {  	_ =	shalt  }
0x6b: {  	_ =	shalt  }
0x6c: {  	_ =	shalt  }
0x6d: {  	_ =	shalt  }
0x6e: {  	_ =	shalt  }
0x6f: {  	_ =	shalt  }
0x70: {  	_ =	shalt  }
0x71: {  	_ =	shalt  }
0x72: {  	_ =	shalt  }
0x73: {  	_ =	shalt  }
0x74: {  	_ =	shalt  }
0x75: {  	_ =	shalt  }
0x76: {  	_ =	shalt  }
0x77: {  	_ =	shalt  }
0x78: {  	_ =	shalt  }
0x79: {  	_ =	shalt  }
0x7a: {  	_ =	shalt  }
0x7b: {  	_ =	shalt  }
0x7c: {  	_ =	shalt  }
0x7d: {  	_ =	shalt  }
0x7e: {  	_ =	shalt  }
0x7f: {  	_ =	shalt  }
0x80: {  	_ =	shalt  }
0x81: {  	_ =	shalt  }
0x82: {  	_ =	shalt  }
0x83: {  	_ =	shalt  }
0x84: {  	_ =	shalt  }
0x85: {  	_ =	shalt  }
0x86: {  	_ =	shalt  }
0x87: {  	_ =	shalt  }
.Lfunc_end0:
.L_simem_size_0:
called_computation_lowered:
.L_overlay_start_0:
0x88: {  	s2 =	sld [smem:$0x3FD9]  }
0x89: {  	s3 =	sld [smem:$0x3FFE];
	_ =	sdelay $0x1  }
0x8a: {  	s1 =	srdreg.scid  }
0x8b: {  	s0 =	sand.u32 $0x1, s1  }
0x8c: {  	s17 =	sshll.u32 s0, $0xA;
	s2 =	sadd.s32 s3, s2  }
0x8d: {  	s2 =	sadd.s32 s2, s17  }
0x8e: {  	[smem:$0x3FC6] =	sst s2  }
0x8f: {  	_ = 	snop  }
0x90: {  	s2 =	sld [smem:$0x3FC8]  }
0x91: {  	s18 =	sld [smem:$0x3FD0];
	(tm) =	ssettm $0x1  }
0x92: {  	s4 =	sld [smem:$0x3FFB];
	_ =	sdelay $0x3  }
0x93: {  	_ =	strace s4  }
0x94: {  	s4 =	sld [smem:$0x3FFC];
	_ =	sdelay $0x3  }
0x95: {  	_ =	strace s4  }
0x96: {  	s4 =	sld [smem:$0x3FFD];
	_ =	sdelay $0x3  }
0x97: {  	_ =	strace s4  }
0x98: {  	_ =	strace $0x8FFFFFFF  }
0x99: {  	s19 =	sld [smem:$0x3FDB];
	_ =	sdelay $0x1  }
0x9a: {  	s5 =	simm.s32 $_scs_section_size  }
0x9b: {  	s6 =	simm.s32 $_size__tile_overlayer_lowered;
	s7 =	simm.s32 $_tile_overlayer_lowered  }
0x9c: {  	s22 =	simm.s32 $0x1BFF;
	s21 =	sshll.u32 s7, $0x1;
	s4 =	sadd.s32 s5, s19  }
0x9d: {  	s8 =	simm.s32 $0x0;
	s20 =	sshll.u32 s6, $0x1;
	s6 =	sadd.s32 s21, s4  }
0x9e: {  	[timem:s8], [sflag:s22] =	dma.local [hbm:s6], s20  }
0x9f: {  	_ =	swait.ge [sflag:s22], s20  }
0xa0: {  	s5 =	ssub.s32 $0x0, s20;
	[sflag:s22] =	ssyncset.done $0x0  }
0xa1: {  	[sflag:s22] =	ssyncadd.s32 s5;
	_ =	sdelay $0x1  }
0xa2: {  	s23 =	simm.s32 $0x1B8B  }
0xa3: {  	_ =	swait.ge [sflag:s23], $0x1  }
0xa4: {  	[sflag:s23] =	ssyncset.done $0x0  }
0xa5: {  	s25 =	simm.s32 $0x1B8E;
	s24 =	sld [smem:$0x3FFE];
	[sflag:s23] =	ssyncadd.s32 $0xFFFFFFFF  }
0xa6: {  	s26 =	simm.s32 $execute0_lowered;
	[smem:$0x3FD2] =	sst s25  }
0xa7: {  	s6 =	sshll.u32 s26, $0x1;
	_ =	strace $0x80000046;
	[dreg:$0x1] =	wrdreg $0xFFFFFFFF  }
0xa8: {  	s28 =	simm.s32 $_size_execute0_lowered;
	s4 =	sadd.s32 s4, s6;
	[dreg:$0x0] =	wrdreg $0x0  }
0xa9: {  	s6 =	sshll.u32 s28, $0x1;
	[dreg:$0x2] =	wrdreg s4  }
0xaa: {  	[dreg:$0x3] =	wrdreg s6  }
0xab: {  	[dreg:$0x4] =	wrdreg $0xC0  }
0xac: {  	_ =	task [dreg:s8], $0x5FFFF  }
0xad: {  	[dreg:$0x1] =	wrdreg $0xFFFFFFFF  }
0xae: {  	[dreg:$0x0] =	wrdreg $0x60  }
0xaf: {  	[dreg:$0x2] =	wrdreg s2  }
0xb0: {  	[dreg:$0x3] =	wrdreg s24  }
0xb1: {  	[dreg:$0x4] =	wrdreg s18  }
0xb2: {  	[dreg:$0x5] =	wrdreg $0x9  }
0xb3: {  	_ =	task.clear_ibuf [dreg:s8], $0x6FFFF;
	_ =	strace $0x90000046  }
0xb4: {  	s29 =	simm.s32 $0x9;
	_ =	strace $0x80000048  }
0xb5: {  	_ =	swait.ge [sflag:s29], $0x1  }
0xb6: {  	[sflag:s29] =	ssyncadd.s32 $0xFFFFFFFF  }
0xb7: {  	_ =	strace $0x90000048  }
0xb8: {  	_ =	sfence  }
0xb9: {  	s30 =	sld [smem:$0x0];
	_ =	sdelay $0x2  }
0xba: {  	s31 =	sshll.u32 s1, $0xD;
	s1 =	sshrl.u32 s1, $0x2  }
0xbb: {  	s3 =	sand.u32 $0x4000, s31;
	s1 =	sadd.s32 s1, s30  }
0xbc: {  	s0 =	sor.u32 s3, s0;
	s1 =	sshll.u32 s1, $0x11  }
0xbd: {  	s0 =	sor.u32 s1, s0  }
0xbe: {  	s0 =	sadd.s32 $0x8F2B, s0  }
0xbf: {  	[sflag:s0] =	ssyncadd.remote.s32 $0x1  }
0xc0: {  	_ =	sfence.sel $0xFFFF  }
0xc1: {  	[dreg:$0x0] =	wrdreg $0xFFFFFFFF;
	(pc) =	sbr.abs _section_cstart, $3  }
0xc2: {  	[dreg:$0x1] =	wrdreg $0xFFFFFFFF  }
0xc3: {  	_ =	task.clear_ibuf [dreg:s8], $0x2FFFF;
	_ =	strace $0x9FFFFFFF  }
0xc4: {  	(tm) =	ssettm $0x7FFFFFFF  }
0xc5: {  	_ =	shalt  }
tec
execute0_lowered:
.L_overlay_start_1:
0x0: {  	(tag) =	ssettag $0x1  }
0x1: {  	s2 =	srdreg.scid;
	s1 =	rddreg [dreg:$0x0]  }
0x2: {  	s0 =	stileid.u32;
	s4 =	rddreg [dreg:$0x1]  }
0x3: {  	s8 =	rddreg [dreg:$0x2];
	s3 =	simm.s32 $0x0;
	s12 =	simm.s32 $0xA400  }
0x4: {  	s14 =	simm.s32 $0xE400;
	s15 =	simm.s32 $0x180;
	s16 =	simm.s32 $0x12400  }
0x5: {  	s17 =	simm.s32 $0x1;
	s18 =	simm.s32 $0x5;
	s19 =	simm.s32 $0x2  }
0x6: {  	s20 =	simm.s32 $0x6;
	s21 =	simm.s32 $0x3;
	s22 =	simm.s32 $0x7  }
0x7: {  	s23 =	simm.s32 $0x4;
	s24 =	simm.s32 $0x8;
	s7 =	smul.u32 $0x190, s0  }
0x8: {  	s25 =	simm.s32 $0x0;
	s6 =	sand.u32 $0x1, s2;
	s30 =	smul.u32 $0xC8000, s0  }
0x9: {  	s28 =	sshll.u32 s0, $0x1;
	[smem:$0x7FF] =	sst s3;
	s10 =	smul.u32 $0xC8, s6  }
0xa: {  	s2 =	sor.u32 s6, s28;
	s9 =	ssub.s32 $0x2, s6;
	s31 =	smul.u32 $0x64000, s6  }
0xb: {  	_ =	strace $0x80000047;
	s5 =	smul.u32 $0xC80, s2;
	s11 =	sshrl.u32 s9, $0x1  }
.Ltmp0:
0xc: {  	s29 =	ssub.s32 s9, s11;
	s7 =	sadd.s32 s10, s7;
	(pc) =	sbr.rel .LBB2_1-.Ltmp0, $4  }
0xd: {  	s9 =	simm.s32 $0x9;
	s10 =	simm.s32 $0x80;
	s11 =	simm.s32 $0x6400  }
0xe: {  	s4 =	sadd.s32 s5, s4;
	s7 =	sshll.u32 s7, $0xB;
	s5 =	smax.u32 s29, $0x1  }
0xf: {  	s4 =	sadd.s32 $0x400, s4;
	s7 =	sadd.s32 s7, s8;
	s8 =	sadd.s32 s30, s8  }
0x10: {  	s6 =	sadd.s32 $0x1800, s7;
	s7 =	sadd.s32 $0x1000, s7;
	s8 =	sadd.s32 s31, s8  }
.LBB2_4:
0x11: {  	s25 =	sadd.s32 $0x1, s25  }
0x12: {  	p0 =	sne.s32 s25, s5  }
.Ltmp1:
0x13: {  	_ = 	snop;
	(pc) =	sbr.rel @!p0 .LBB2_5-.Ltmp1, $1  }
0x14: {  	_ =	sdelay $0x3  }
.LBB2_1:
0x15: {  	[tilespmem:s3], [sflag:$0x9] =	stream.linear.gather [hbm4b:s4+s3], $0x6400, $0x38;
	[tilespmem:$0x16400] =	vst v63  }
0x16: {  	_ =	swait.ge [sflag:s9], $0x6400  }
0x17: {  	[sflag:s9] =	ssyncset.done $0x0  }
0x18: {  	[sflag:s9] =	ssyncadd.s32 $0xFFFF9C00  }
0x19: {  	[tilespmem:s11], [sflag:$0x1] =	stream.indirect.gather [hbm4b:s1+s10], $0x80, s3, s10, $0xb8;
	[tilespmem:$0x16400] =	vst v63  }
0x1a: {  	_ = 	snop  }
0x1b: {  	[tilespmem:s12], [sflag:$0x2] =	stream.indirect.gather [hbm4b:s1+s10], $0x80, s10, s10, $0xb8;
	[tilespmem:$0x16400] =	vst v63  }
0x1c: {  	s0 =	simm.s32 $0x100;
	s26 =	smov.u32 s8  }
0x1d: {  	[tilespmem:s14], [sflag:$0x3] =	stream.indirect.gather [hbm4b:s1+s10], $0x80, s0, s10, $0xb8;
	[tilespmem:$0x16400] =	vst v63  }
0x1e: {  	s28 =	smov.u32 s7;
	s29 =	smov.u32 s6;
	s30 =	simm.s32 $0x0  }
0x1f: {  	[tilespmem:s16], [sflag:$0x4] =	stream.indirect.gather [hbm4b:s1+s10], $0x80, s15, s10, $0xb8;
	[tilespmem:$0x16400] =	vst v63  }
.LBB2_2:
0x20: {  	_ =	swait.ge [sflag:s17], $0x4000  }
0x21: {  	[sflag:s17] =	ssyncset.done $0x0  }
0x22: {  	[sflag:s17] =	ssyncadd.s32 $0xFFFFC000  }
0x23: {  	[hbm4b:s26+s3] =	stream.linear.scatter [tilespmem:s11], [sflag:$0x5], $0x4000, $0x38;
	[tilespmem:$0x16400] =	vst v63  }
0x24: {  	p0 =	seq.s32 s30, $0x18800;
	_ =	swait.ge [sflag:s18], $0x4000  }
0x25: {  	s31 =	sshra.s32 @!p0 s30, $0x2;
	s0 =	simm.s32 @!p0 $0x80;
	[sflag:s18] =	ssyncset.done $0x0  }
0x26: {  	s13 =	simm.s32 @!p0 $0x6400;
	s2 =	sadd.s32 @!p0 $0x200, s31;
	[sflag:s18] =	ssyncadd.s32 $0xFFFFC000  }
0x27: {  	[tilespmem:s13], [sflag:$0x1] =	stream.indirect.gather @!p0 [hbm4b:s1+s0], $0x80, s2, s0, $0xb8;
	[tilespmem:$0x16400] =	vst v63  }
0x28: {  	_ =	swait.ge [sflag:s19], $0x4000  }
0x29: {  	[sflag:s19] =	ssyncset.done $0x0  }
0x2a: {  	s13 =	sadd.s32 $0xFFFFF000, s29;
	[sflag:s19] =	ssyncadd.s32 $0xFFFFC000  }
0x2b: {  	[hbm4b:s13+s3] =	stream.linear.scatter [tilespmem:s12], [sflag:$0x6], $0x4000, $0x38;
	[tilespmem:$0x16400] =	vst v63  }
0x2c: {  	_ =	swait.ge [sflag:s20], $0x4000  }
0x2d: {  	[sflag:s20] =	ssyncset.done $0x0  }
0x2e: {  	s2 =	sadd.s32 @!p0 $0x280, s31;
	s13 =	simm.s32 @!p0 $0xA400;
	[sflag:s20] =	ssyncadd.s32 $0xFFFFC000  }
0x2f: {  	[tilespmem:s13], [sflag:$0x2] =	stream.indirect.gather @!p0 [hbm4b:s1+s0], $0x80, s2, s0, $0xb8;
	[tilespmem:$0x16400] =	vst v63  }
0x30: {  	_ =	swait.ge [sflag:s21], $0x4000  }
0x31: {  	[sflag:s21] =	ssyncset.done $0x0  }
0x32: {  	[sflag:s21] =	ssyncadd.s32 $0xFFFFC000  }
0x33: {  	[hbm4b:s28+s3] =	stream.linear.scatter [tilespmem:s14], [sflag:$0x7], $0x4000, $0x38;
	[tilespmem:$0x16400] =	vst v63  }
0x34: {  	_ =	swait.ge [sflag:s22], $0x4000  }
0x35: {  	[sflag:s22] =	ssyncset.done $0x0  }
0x36: {  	s2 =	sadd.s32 @!p0 $0x300, s31;
	s13 =	simm.s32 @!p0 $0xE400;
	[sflag:s22] =	ssyncadd.s32 $0xFFFFC000  }
0x37: {  	[tilespmem:s13], [sflag:$0x3] =	stream.indirect.gather @!p0 [hbm4b:s1+s0], $0x80, s2, s0, $0xb8;
	[tilespmem:$0x16400] =	vst v63  }
0x38: {  	_ =	swait.ge [sflag:s23], $0x4000  }
0x39: {  	[sflag:s23] =	ssyncset.done $0x0  }
.Ltmp2:
0x3a: {  	[sflag:s23] =	ssyncadd.s32 $0xFFFFC000;
	(pc) =	sbr.rel @p0 .LBB2_4-.Ltmp2, $4  }
0x3b: {  	[hbm4b:s29+s3] =	stream.linear.scatter [tilespmem:s16], [sflag:$0x8], $0x4000, $0x38;
	[tilespmem:$0x16400] =	vst v63  }
0x3c: {  	_ =	swait.ge [sflag:s24], $0x4000  }
0x3d: {  	[sflag:s24] =	ssyncset.done $0x0  }
0x3e: {  	[sflag:s24] =	ssyncadd.s32 $0xFFFFC000  }
.Ltmp3:
0x3f: {  	(pc) =	sbr.rel .LBB2_2-.Ltmp3, $4  }
0x40: {  	_ = 	snop  }
0x41: {  	s0 =	sshra.s32 s30, $0x2;
	s30 =	sadd.s32 $0x800, s30;
	s29 =	sadd.s32 $0x2000, s29  }
0x42: {  	s28 =	sadd.s32 $0x2000, s28;
	s26 =	sadd.s32 $0x2000, s26;
	s0 =	sadd.s32 $0x380, s0  }
0x43: {  	[tilespmem:s16], [sflag:$0x4] =	stream.indirect.gather [hbm4b:s1+s10], $0x80, s0, s10, $0xb8;
	[tilespmem:$0x16400] =	vst v63  }
.LBB2_5:
0x44: {  	_ =	sfence.sel $0x180000  }
0x45: {  	[bflag:$0x0] =	sbarrier.arrive $0xFFFF  }
0x46: {  	_ =	strace $0x90000047  }
0x47: {  	s0 =	stileid.u32;
	[bflag:$0x2] =	sbarrier.arrive $0xFFFF  }
0x48: {  	p0 =	sne.s32 s0, $0x0;
	s0 =	rddreg [dreg:$0x3]  }
0x49: {  	s0 =	sadd.s32 @!p0 $0x100000, s0  }
0x4a: {  	[sflag:s0] =	ssyncadd.tile.s32 @!p0 $0x1;
	_ =	shalt  }
.Lfunc_end2:
_tile_overlayer_lowered:
.L_overlay_start_2:
0x4b: {  	(tag) =	ssettag $0x2  }
0x4c: {  	s0 =	rddreg [dreg:$0x0];
	s2 =	stileid.u32  }
0x4d: {  	s1 =	rddreg [dreg:$0x1];
	p0 =	sne.s32 s2, $0x0  }
0x4e: {  	s3 =	rddreg [dreg:$0x2];
	[bflag:$0x3] =	sbarrier.arrive $0xFFFF;
	s2 =	simm.s32 @!p0 $0x1C09  }
0x4f: {  	[timem:s3], [sflag:s2] =	dma.local @!p0 [hbm:s0], s1  }
0x50: {  	s0 =	simm.s32 @!p0 $0x9  }
0x51: {  	_ =	swait.ge @!p0 [sflag:s0], s1  }
0x52: {  	s1 =	ssub.s32 @!p0 $0x0, s1;
	[sflag:s0] =	ssyncset.done @!p0 $0x0  }
0x53: {  	[sflag:s0] =	ssyncadd.s32 @!p0 s1  }
0x54: {  	[bflag:$0x3] =	sbarrier.arrive $0xFFFF  }
0x55: {  	_ =	shalt  }

</sc_bundles>
